<compile_context>
chip_gen: v7x
topology: tpu7x:2x2x1
jax: 0.10.2.dev20260603
libtpu: 0.0.44.dev20260713+nightly
codegen_flags: <defaults>
</compile_context>

<pallas_src>
import functools

import jax
import jax.numpy as jnp
from jax import lax
from jax.experimental import pallas as pl
from jax.experimental.pallas import tpu as pltpu
from jax.experimental.pallas import tpu_sc as plsc

L = 16
NC = 2
NS = 16
NW = NC * NS
UNROLL = 16


def _lookup_body(vocab_size, n_per_w, w_hbm, x_hbm, out_hbm, tbl_sh, idx_v,
                 out_v, sem_t, sem_i):
  wid = lax.axis_index("s") * NC + lax.axis_index("c")
  sid = lax.axis_index("s")
  base = wid * n_per_w

  icopy = pltpu.async_copy(x_hbm.at[pl.ds(base, n_per_w)], idx_v, sem_i)

  @pl.when(sid == 0)
  def _():
    pltpu.async_copy(w_hbm, tbl_sh, sem_t)

  icopy.wait()

  @plsc.parallel_loop(0, n_per_w, L, unroll=UNROLL)
  def _(off):
    ids = idx_v[pl.ds(off, L)]
    idx_v[pl.ds(off, L)] = jnp.where(ids >= vocab_size, 0, ids)

  @pl.when(sid == 0)
  def _():
    pltpu.make_async_copy(w_hbm, tbl_sh, sem_t).wait()

  plsc.subcore_barrier()

  pltpu.async_copy(tbl_sh.at[idx_v], out_v, sem_i).wait()
  pltpu.sync_copy(out_v, out_hbm.at[pl.ds(base, n_per_w)])


def kernel(x, weight):
  b, f = x.shape
  n = b * f
  vocab_size = weight.shape[0]
  n_per_w = n // NW
  assert n % (NW * L * UNROLL) == 0

  w_flat = weight.reshape(-1)
  x_flat = x.T.reshape(-1)

  mesh = plsc.VectorSubcoreMesh(core_axis_name="c", subcore_axis_name="s")
  run = pl.kernel(
      functools.partial(_lookup_body, vocab_size, n_per_w),
      out_type=jax.ShapeDtypeStruct((n,), jnp.int32),
      mesh=mesh,
      compiler_params=pltpu.CompilerParams(
          needs_layout_passes=False,
          skip_device_barrier=True,
          disable_semaphore_checks=True,
          disable_bounds_checks=True,
      ),
      scratch_types=[
          pltpu.VMEM_SHARED((vocab_size,), jnp.int32),
          pltpu.VMEM((n_per_w,), jnp.int32),
          pltpu.VMEM((n_per_w,), jnp.int32),
          pltpu.SemaphoreType.DMA,
          pltpu.SemaphoreType.DMA,
      ],
  )
  out = run(w_flat, x_flat)
  return out.reshape(f, 1, b).transpose(2, 0, 1)

# --- scband reference (transcript-rebuilt; emitter-appended) ---
"""Pipeline reference for scband-integer-lookup-77318001262999 (READ-ONLY COPY).

The authoritative reference and input builder live on the scoring server;
editing this copy changes nothing except your own understanding.
"""

import jax, jax.numpy as jnp
import numpy as np

# vocab from init_kwargs: 100 known integer ids
VOCAB = np.arange(1000, 100001, 1000, dtype=np.int32)  # [1000, 2000, ..., 100000]
MAX = int(VOCAB.max()) + 1  # 100001


def setup_inputs(seed: int = 0) -> dict:
    key = jax.random.key(seed)
    # raw integer ids, batch of 16384 examples x 26 sparse fields
    x = jax.random.randint(key, (16384, 26), 0, 100000, dtype=jnp.int32)
    # frozen lookup table: weight[vocab[i]] = i+1, else 0 (OOV -> 0)
    weight = jnp.zeros((MAX, 1), dtype=jnp.int32)
    weight = weight.at[jnp.asarray(VOCAB), 0].set(
        jnp.arange(1, len(VOCAB) + 1, dtype=jnp.int32)
    )
    return {"x": x, "weight": weight}


def reference(x, weight):
    # Faithful translation of IntegerLookup.forward:
    #   x[x >= self.max] = 0
    #   return self.lookup(x)   # Embedding gather with embedding_dim=1
    max_v = weight.shape[0]
    x = jnp.where(x >= max_v, 0, x)
    out = jnp.take(weight, x, axis=0)  # shape (16384, 26, 1), integer dtype
    return out

if __name__ == "__main__":
    import jax
    _d = setup_inputs()
    print(jax.jit(kernel)(*tuple(_d.values())))

</pallas_src>

<mosaic_0001>
#map = affine_map<(d0, d1) -> (0)>
module attributes {stable_mosaic.version = 14 : i64} {
  func.func @_lookup_body(%arg0: i32, %arg1: i32, %arg2: memref<100001xi32, #tpu.memory_space<hbm>>, %arg3: memref<425984xi32, #tpu.memory_space<hbm>>, %arg4: memref<425984xi32, #tpu.memory_space<hbm>>, %arg5: memref<100001xi32, #tpu.memory_space<vmem_shared>>, %arg6: memref<13312xi32, #tpu.memory_space<vmem>>, %arg7: memref<13312xi32, #tpu.memory_space<vmem>>, %arg8: memref<!tpu.dma_semaphore, #tpu.memory_space<semaphore_mem>>, %arg9: memref<!tpu.dma_semaphore, #tpu.memory_space<semaphore_mem>>) attributes {dimension_semantics = [#tpu.dimension_semantics<core_parallel>, #tpu.dimension_semantics<subcore_parallel>], iteration_bounds = array<i64: 2, 16>, scalar_prefetch = 0 : i64, scratch_operands = 5 : i64, tpu.core_type = #tpu.core_type<sc_vector_subcore>, window_params = [{transform_indices = #map}, {transform_indices = #map}, {transform_indices = #map}]} {
    %mul3A = arith.constant 2 : i32
    %mul3A_0 = arith.muli %arg1, %mul3A : i32
    %add3A = arith.addi %mul3A_0, %arg0 : i32
    %mul3A_1 = arith.constant 13312 : i32
    %mul3A_2 = arith.muli %add3A, %mul3A_1 : i32
    %dma_start3A = tpu.memref_slice %arg3[%mul3A_2] : memref<425984xi32, #tpu.memory_space<hbm>> -> memref<13312xi32, #tpu.memory_space<hbm>>
    %dma_start3A_3 = tpu.memref_slice %arg3[%mul3A_2] : memref<425984xi32, #tpu.memory_space<hbm>> -> memref<13312xi32, #tpu.memory_space<hbm>>
    tpu.enqueue_dma source(%dma_start3A_3 : memref<13312xi32, #tpu.memory_space<hbm>>) target(%arg6 : memref<13312xi32, #tpu.memory_space<vmem>>) target_semaphore(%arg9 : memref<!tpu.dma_semaphore, #tpu.memory_space<semaphore_mem>>)
    %eq3A = arith.constant 0 : i32
    %eq3A_4 = arith.cmpi eq, %arg1, %eq3A : i32
    %convert_element_type3A = arith.extui %eq3A_4 : i1 to i32
    %cond3A = arith.constant 0 : i32
    %cond3A_5 = arith.cmpi ne, %convert_element_type3A, %cond3A : i32
    scf.if %cond3A_5 {
      tpu.enqueue_dma source(%arg2 : memref<100001xi32, #tpu.memory_space<hbm>>) target(%arg5 : memref<100001xi32, #tpu.memory_space<vmem_shared>>) target_semaphore(%arg8 : memref<!tpu.dma_semaphore, #tpu.memory_space<semaphore_mem>>)
    } else {
    }
    %dma_wait3A = tpu.memref_slice %arg3[%mul3A_2] : memref<425984xi32, #tpu.memory_space<hbm>> -> memref<13312xi32, #tpu.memory_space<hbm>>
    %dma_wait3A_6 = tpu.memref_slice %arg3[%mul3A_2] : memref<425984xi32, #tpu.memory_space<hbm>> -> memref<13312xi32, #tpu.memory_space<hbm>>
    tpu.wait_dma2 semaphore(%arg9 : memref<!tpu.dma_semaphore, #tpu.memory_space<semaphore_mem>>) src(%dma_wait3A_6 : memref<13312xi32, #tpu.memory_space<hbm>>) dst(%arg6 : memref<13312xi32, #tpu.memory_space<vmem>>)
    %parallel_loop3A = arith.constant 0 : i32
    %parallel_loop3A_7 = arith.constant 13312 : i32
    %parallel_loop3A_8 = arith.constant 16 : i32
    scf.for %parallel_loop3A_18 = %parallel_loop3A to %parallel_loop3A_7 step %parallel_loop3A_8  : i32 {
      %parallel_loop3A_19 = arith.index_cast %parallel_loop3A_18 : i32 to index
      %parallel_loop3A_20 = tpu.vector_load %arg6[%parallel_loop3A_19] {strides = array<i32>} : memref<13312xi32, #tpu.memory_space<vmem>>, vector<16xi32>,
      %parallel_loop3A_21 = arith.constant 100001 : i32
      %parallel_loop3A_22 = vector.broadcast %parallel_loop3A_21 : i32 to vector<16xi32>
      %parallel_loop3A_23 = arith.cmpi sge, %parallel_loop3A_20, %parallel_loop3A_22 : vector<16xi32>
      %parallel_loop3A_24 = arith.constant 0 : i32
      %parallel_loop3A_25 = vector.broadcast %parallel_loop3A_24 : i32 to vector<16xi32>
      %parallel_loop3A_26 = arith.select %parallel_loop3A_23, %parallel_loop3A_25, %parallel_loop3A_20 : vector<16xi1>, vector<16xi32>
      %parallel_loop3A_27 = arith.index_cast %parallel_loop3A_18 : i32 to index
      %parallel_loop3A_28 = tpu.vector_load %arg6[%parallel_loop3A_27] {strides = array<i32>} : memref<13312xi32, #tpu.memory_space<vmem>>, vector<16xi32>,
      tpu.vector_store %arg6[%parallel_loop3A_27], %parallel_loop3A_26 {strides = array<i32>} : memref<13312xi32, #tpu.memory_space<vmem>>, vector<16xi32>,
    } {sc.loop_unroll_factor = 16 : i64, sc.parallel_access}
    %eq3A_9 = arith.constant 0 : i32
    %eq3A_10 = arith.cmpi eq, %arg1, %eq3A_9 : i32
    %convert_element_type3A_11 = arith.extui %eq3A_10 : i1 to i32
    %cond3A_12 = arith.constant 0 : i32
    %cond3A_13 = arith.cmpi ne, %convert_element_type3A_11, %cond3A_12 : i32
    scf.if %cond3A_13 {
      tpu.wait_dma2 semaphore(%arg8 : memref<!tpu.dma_semaphore, #tpu.memory_space<semaphore_mem>>) src(%arg2 : memref<100001xi32, #tpu.memory_space<hbm>>) dst(%arg5 : memref<100001xi32, #tpu.memory_space<vmem_shared>>)
    } else {
    }
    %barrier3A = arith.constant 0 : index
    tpu.barrier barrier_id(%barrier3A)
    %dma_start3A_14 = arith.constant 0 : i32
    %dma_start3A_15 = tpu.memref_slice %arg5[%dma_start3A_14] : memref<100001xi32, #tpu.memory_space<vmem_shared>> -> memref<100001xi32, #tpu.memory_space<vmem_shared>>
    tpu.enqueue_indirect_dma source(%dma_start3A_15 : memref<100001xi32, #tpu.memory_space<vmem_shared>>) target(%arg7 : memref<13312xi32, #tpu.memory_space<vmem>>) offsets(%arg6 : memref<13312xi32, #tpu.memory_space<vmem>>) semaphore(%arg9 : memref<!tpu.dma_semaphore, #tpu.memory_space<semaphore_mem>>)
    %dma_wait3A_16 = arith.constant 0 : i32
    %dma_wait3A_17 = tpu.memref_slice %arg5[%dma_wait3A_16] : memref<100001xi32, #tpu.memory_space<vmem_shared>> -> memref<100001xi32, #tpu.memory_space<vmem_shared>>
    tpu.wait_indirect_dma semaphore(%arg9 : memref<!tpu.dma_semaphore, #tpu.memory_space<semaphore_mem>>) src(%dma_wait3A_17 : memref<100001xi32, #tpu.memory_space<vmem_shared>>) dst(%arg7 : memref<13312xi32, #tpu.memory_space<vmem>>)
    "tpu.region"() ({
      %run_scoped3A = tpu.sem_alloc : memref<!tpu.dma_semaphore, #tpu.memory_space<semaphore_mem>>
      %dma_start3A_18 = tpu.memref_slice %arg4[%mul3A_2] : memref<425984xi32, #tpu.memory_space<hbm>> -> memref<13312xi32, #tpu.memory_space<hbm>>
      %dma_start3A_19 = tpu.memref_slice %arg4[%mul3A_2] : memref<425984xi32, #tpu.memory_space<hbm>> -> memref<13312xi32, #tpu.memory_space<hbm>>
      tpu.enqueue_dma source(%arg7 : memref<13312xi32, #tpu.memory_space<vmem>>) target(%dma_start3A_19 : memref<13312xi32, #tpu.memory_space<hbm>>) target_semaphore(%run_scoped3A : memref<!tpu.dma_semaphore, #tpu.memory_space<semaphore_mem>>)
      %dma_wait3A_20 = tpu.memref_slice %arg4[%mul3A_2] : memref<425984xi32, #tpu.memory_space<hbm>> -> memref<13312xi32, #tpu.memory_space<hbm>>
      %dma_wait3A_21 = tpu.memref_slice %arg4[%mul3A_2] : memref<425984xi32, #tpu.memory_space<hbm>> -> memref<13312xi32, #tpu.memory_space<hbm>>
      tpu.wait_dma2 semaphore(%run_scoped3A : memref<!tpu.dma_semaphore, #tpu.memory_space<semaphore_mem>>) src(%arg7 : memref<13312xi32, #tpu.memory_space<vmem>>) dst(%dma_wait3A_21 : memref<13312xi32, #tpu.memory_space<hbm>>)
      tpu.yield
    }) : () -> ()
    return
  }
}

</mosaic_0001>

<sc_bundles>
// kernel: kernel.3.cloned.1.call-start
scs
__scs_entry_jumppad:
0x0: {  	(pc) =	sbr.rel $0x88, $3  }
0x1: {  	(tag) =	ssettag $0x0;
	lr =	simm.s32 $0x1  }
0x2: {  	[smem:$0x3F9F] =	sst lr;
	_ =	strace $0xD0000000  }
0x3: {  	_ = 	snop  }
0x4: {  	_ = 	snop  }
0x5: {  	_ = 	snop  }
0x6: {  	_ = 	snop  }
0x7: {  	_ = 	snop  }
__scs_overlays_trampoline_lowered:
0x8: {  	[smem:$0x3FAE] =	sst s0  }
0x9: {  	[smem:$0x3FAF] =	sst s1  }
0xa: {  	[smem:$0x3FB0] =	sst s2  }
0xb: {  	[smem:$0x3FB1] =	sst s3  }
0xc: {  	[smem:$0x3FB2] =	sst s4  }
0xd: {  	[smem:$0x3FB3] =	sst s5  }
0xe: {  	[smem:$0x3FB4] =	sst s6  }
0xf: {  	[smem:$0x3FB5] =	sst s7  }
0x10: {  	[smem:$0x3FB6] =	sst s8  }
0x11: {  	[smem:$0x3FB7] =	sst s9;
	s0 =	simm.s32 @!p0 $0x0  }
0x12: {  	s1 =	sld [smem:$0x3F9D];
	s0 =	simm.s32 @p0 $0x1  }
0x13: {  	[smem:$0x3FB8] =	sst s0;
	s0 =	simm.s32 @!p1 $0x0  }
0x14: {  	s2 =	sld [smem:$0x3F9C];
	s0 =	simm.s32 @p1 $0x1  }
0x15: {  	[smem:$0x3FB9] =	sst s0;
	s0 =	simm.s32 @!p2 $0x0  }
0x16: {  	s3 =	sld [smem:$0x3FDB];
	s0 =	simm.s32 @p2 $0x1  }
0x17: {  	s4 =	simm.s32 $0x1BF5;
	[smem:$0x3FBB] =	sst s0  }
0x18: {  	s0 =	sld [smem:$0x3F9E];
	_ =	swait.ge [sflag:s4], $0x0  }
0x19: {  	s7 =	sld [smem:$0x3F9F]  }
0x1a: {  	s8 =	sadd.s32 $0xFFFFE003, lr  }
0x1b: {  	s9 =	sadd.s32 $0xFFFFFEF7, lr;
	s5 =	simm.s32 $0xFFFFFFFF;
	p2 =	slt.u32 s8, $0xFFFFF086  }
0x1c: {  	p1 =	slt.u32 s9, $0xF7A;
	s5 =	simm.s32 @!p2 $0x0  }
0x1d: {  	s5 =	simm.s32 @p1 $0x1;
	p0 =	seq.s32 s7, s2  }
0x1e: {  	s7 =	smul.u32 @!p0 $0xF7A, s2;
	p2 =	seq.s32 @!p0 s5, $0x0  }
0x1f: {  	s9 =	smul.u32 $0xF7A, s1;
	s8 =	simm.s32 @!p0 $0x1BF5;
	p2 =	por !p2, p0  }
0x20: {  	[sflag:s8] =	ssyncset.s32 @!p0 $0xFFFFF086;
	s6 =	sadd.s32 @!p0 s3, s7;
	s7 =	simm.s32 @!p0 $0x108  }
0x21: {  	s3 =	sadd.s32 s3, s9;
	s6 =	sadd.s32 @!p0 $0x88, s6;
	s7 =	simm.s32 @p2 $0x1082  }
0x22: {  	[simem:s7], [sflag:s8] =	dma.local @!p0 [hbm:s6], $0xF7A  }
0x23: {  	s9 =	sor.u32 $0xD0000000, s2;
	s6 =	simm.s32 $0x108;
	_ =	swait.ge @!p0 [sflag:s8], $0x0  }
0x24: {  	s3 =	sadd.s32 $0x88, s3;
	s6 =	simm.s32 @!p1 $0x1082;
	[sflag:s4] =	ssyncset.s32 $0xFFFFF086  }
0x25: {  	[simem:s6], [sflag:s4] =	dma.local [hbm:s3], $0xF7A  }
0x26: {  	[smem:$0x3F9F] =	sst s1;
	(tag) =	ssettag s2;
	_ =	strace s9  }
0x27: {  	s1 =	sld [smem:$0x3FAF]  }
0x28: {  	s2 =	sld [smem:$0x3FB0]  }
0x29: {  	s4 =	sld [smem:$0x3FB2]  }
0x2a: {  	p0 =	seq.s32 s5, $0x0;
	s5 =	sld [smem:$0x3FB3]  }
0x2b: {  	s6 =	sld [smem:$0x3FB4]  }
0x2c: {  	s7 =	sld [smem:$0x3FB5]  }
0x2d: {  	s3 =	simm.s32 $0x108;
	s8 =	sld [smem:$0x3FB6]  }
0x2e: {  	s3 =	simm.s32 @!p0 $0x1082;
	s9 =	sld [smem:$0x3FB7]  }
0x2f: {  	lr =	sadd.s32 s0, s3;
	s0 =	sld [smem:$0x3FAE]  }
0x30: {  	s3 =	sld [smem:$0x3FB1]  }
0x31: {  	[smem:$0x3FBA] =	sst s10  }
0x32: {  	s10 =	sld [smem:$0x3FB8];
	_ =	sdelay $0x3  }
0x33: {  	p0 =	seq.s32 s10, $0x1;
	s10 =	sld [smem:$0x3FBA];
	_ =	sdelay $0x3  }
0x34: {  	[smem:$0x3FBA] =	sst s10  }
0x35: {  	s10 =	sld [smem:$0x3FB9];
	_ =	sdelay $0x3  }
0x36: {  	p1 =	seq.s32 s10, $0x1;
	s10 =	sld [smem:$0x3FBA];
	_ =	sdelay $0x3  }
0x37: {  	[smem:$0x3FBA] =	sst s10  }
0x38: {  	s10 =	sld [smem:$0x3FBB]  }
0x39: {  	_ = 	snop;
	(pc) =	sbr.ind lr, $3  }
0x3a: {  	_ = 	snop  }
0x3b: {  	_ = 	snop  }
0x3c: {  	p2 =	seq.s32 s10, $0x1;
	s10 =	sld [smem:$0x3FBA]  }
0x3d: {  	_ =	shalt  }
0x3e: {  	_ =	shalt  }
0x3f: {  	_ =	shalt  }
0x40: {  	_ =	shalt  }
0x41: {  	_ =	shalt  }
0x42: {  	_ =	shalt  }
0x43: {  	_ =	shalt  }
0x44: {  	_ =	shalt  }
0x45: {  	_ =	shalt  }
0x46: {  	_ =	shalt  }
0x47: {  	_ =	shalt  }
0x48: {  	_ =	shalt  }
0x49: {  	_ =	shalt  }
0x4a: {  	_ =	shalt  }
0x4b: {  	_ =	shalt  }
0x4c: {  	_ =	shalt  }
0x4d: {  	_ =	shalt  }
0x4e: {  	_ =	shalt  }
0x4f: {  	_ =	shalt  }
0x50: {  	_ =	shalt  }
0x51: {  	_ =	shalt  }
0x52: {  	_ =	shalt  }
0x53: {  	_ =	shalt  }
0x54: {  	_ =	shalt  }
0x55: {  	_ =	shalt  }
0x56: {  	_ =	shalt  }
0x57: {  	_ =	shalt  }
0x58: {  	_ =	shalt  }
0x59: {  	_ =	shalt  }
0x5a: {  	_ =	shalt  }
0x5b: {  	_ =	shalt  }
0x5c: {  	_ =	shalt  }
0x5d: {  	_ =	shalt  }
0x5e: {  	_ =	shalt  }
0x5f: {  	_ =	shalt  }
0x60: {  	_ =	shalt  }
0x61: {  	_ =	shalt  }
0x62: {  	_ =	shalt  }
0x63: {  	_ =	shalt  }
0x64: {  	_ =	shalt  }
0x65: {  	_ =	shalt  }
0x66: {  	_ =	shalt  }
0x67: {  	_ =	shalt  }
0x68: {  	_ =	shalt  }
0x69: {  	_ =	shalt  }
0x6a: {  	_ =	shalt  }
0x6b: {  	_ =	shalt  }
0x6c: {  	_ =	shalt  }
0x6d: {  	_ =	shalt  }
0x6e: {  	_ =	shalt  }
0x6f: {  	_ =	shalt  }
0x70: {  	_ =	shalt  }
0x71: {  	_ =	shalt  }
0x72: {  	_ =	shalt  }
0x73: {  	_ =	shalt  }
0x74: {  	_ =	shalt  }
0x75: {  	_ =	shalt  }
0x76: {  	_ =	shalt  }
0x77: {  	_ =	shalt  }
0x78: {  	_ =	shalt  }
0x79: {  	_ =	shalt  }
0x7a: {  	_ =	shalt  }
0x7b: {  	_ =	shalt  }
0x7c: {  	_ =	shalt  }
0x7d: {  	_ =	shalt  }
0x7e: {  	_ =	shalt  }
0x7f: {  	_ =	shalt  }
0x80: {  	_ =	shalt  }
0x81: {  	_ =	shalt  }
0x82: {  	_ =	shalt  }
0x83: {  	_ =	shalt  }
0x84: {  	_ =	shalt  }
0x85: {  	_ =	shalt  }
0x86: {  	_ =	shalt  }
0x87: {  	_ =	shalt  }
.Lfunc_end0:
.L_simem_size_0:
called_computation_lowered:
.L_overlay_start_0:
0x88: {  	s2 =	sld [smem:$0x3FD9]  }
0x89: {  	s3 =	sld [smem:$0x3FFE];
	_ =	sdelay $0x1  }
0x8a: {  	s1 =	srdreg.scid  }
0x8b: {  	s0 =	sand.u32 $0x1, s1  }
0x8c: {  	s17 =	sshll.u32 s0, $0xA;
	s2 =	sadd.s32 s3, s2  }
0x8d: {  	s2 =	sadd.s32 s2, s17  }
0x8e: {  	[smem:$0x3FC6] =	sst s2  }
0x8f: {  	_ = 	snop  }
0x90: {  	s2 =	sld [smem:$0x3FD0];
	(tm) =	ssettm $0x1  }
0x91: {  	s18 =	sld [smem:$0x3FFB];
	_ =	sdelay $0x3  }
0x92: {  	_ =	strace s18  }
0x93: {  	s3 =	sld [smem:$0x3FFC];
	_ =	sdelay $0x3  }
0x94: {  	_ =	strace s3  }
0x95: {  	s3 =	sld [smem:$0x3FFD];
	_ =	sdelay $0x3  }
0x96: {  	_ =	strace s3  }
0x97: {  	_ =	strace $0x8FFFFFFF  }
0x98: {  	s19 =	sld [smem:$0x3FDB];
	_ =	sdelay $0x1  }
0x99: {  	s4 =	simm.s32 $_scs_section_size  }
0x9a: {  	s5 =	simm.s32 $_size__tile_overlayer_lowered;
	s6 =	simm.s32 $_tile_overlayer_lowered  }
0x9b: {  	s22 =	simm.s32 $0x1BFF;
	s21 =	sshll.u32 s6, $0x1;
	s3 =	sadd.s32 s4, s19  }
0x9c: {  	s7 =	simm.s32 $0x0;
	s20 =	sshll.u32 s5, $0x1;
	s5 =	sadd.s32 s21, s3  }
0x9d: {  	[timem:s7], [sflag:s22] =	dma.local [hbm:s5], s20  }
0x9e: {  	_ =	swait.ge [sflag:s22], s20  }
0x9f: {  	s4 =	ssub.s32 $0x0, s20;
	[sflag:s22] =	ssyncset.done $0x0  }
0xa0: {  	[sflag:s22] =	ssyncadd.s32 s4;
	_ =	sdelay $0x1  }
0xa1: {  	s23 =	simm.s32 $0x1B8B  }
0xa2: {  	_ =	swait.ge [sflag:s23], $0x1  }
0xa3: {  	[sflag:s23] =	ssyncset.done $0x0  }
0xa4: {  	s25 =	simm.s32 $0x1B8E;
	s24 =	sld [smem:$0x3FFE];
	[sflag:s23] =	ssyncadd.s32 $0xFFFFFFFF  }
0xa5: {  	s26 =	simm.s32 $execute0_lowered;
	[smem:$0x3FD2] =	sst s25  }
0xa6: {  	s5 =	sshll.u32 s26, $0x1;
	_ =	strace $0x80000046;
	[dreg:$0x1] =	wrdreg $0xFFFFFFFF  }
0xa7: {  	s28 =	simm.s32 $_size_execute0_lowered;
	s3 =	sadd.s32 s3, s5;
	[dreg:$0x0] =	wrdreg $0x0  }
0xa8: {  	s5 =	sshll.u32 s28, $0x1;
	[dreg:$0x2] =	wrdreg s3  }
0xa9: {  	[dreg:$0x3] =	wrdreg s5  }
0xaa: {  	[dreg:$0x4] =	wrdreg $0xC0  }
0xab: {  	_ =	task [dreg:s7], $0x5FFFF  }
0xac: {  	[dreg:$0x1] =	wrdreg $0xFFFFFFFF  }
0xad: {  	[dreg:$0x0] =	wrdreg $0x60  }
0xae: {  	[dreg:$0x2] =	wrdreg s24  }
0xaf: {  	[dreg:$0x3] =	wrdreg s2  }
0xb0: {  	[dreg:$0x4] =	wrdreg $0x0  }
0xb1: {  	[dreg:$0x5] =	wrdreg $0x9  }
0xb2: {  	_ =	task.clear_ibuf [dreg:s7], $0x6FFFF;
	_ =	strace $0x90000046  }
0xb3: {  	s29 =	simm.s32 $0x9;
	_ =	strace $0x80000048  }
0xb4: {  	_ =	swait.ge [sflag:s29], $0x1  }
0xb5: {  	[sflag:s29] =	ssyncadd.s32 $0xFFFFFFFF  }
0xb6: {  	_ =	strace $0x90000048  }
0xb7: {  	_ =	sfence  }
0xb8: {  	s30 =	sld [smem:$0x0];
	_ =	sdelay $0x2  }
0xb9: {  	s31 =	sshll.u32 s1, $0xD;
	s1 =	sshrl.u32 s1, $0x2  }
0xba: {  	s3 =	sand.u32 $0x4000, s31;
	s1 =	sadd.s32 s1, s30  }
0xbb: {  	s0 =	sor.u32 s3, s0;
	s1 =	sshll.u32 s1, $0x11  }
0xbc: {  	s0 =	sor.u32 s1, s0  }
0xbd: {  	s0 =	sadd.s32 $0x8F2B, s0  }
0xbe: {  	[sflag:s0] =	ssyncadd.remote.s32 $0x1  }
0xbf: {  	_ =	sfence.sel $0xFFFF  }
0xc0: {  	[dreg:$0x0] =	wrdreg $0xFFFFFFFF;
	(pc) =	sbr.abs _section_cstart, $3  }
0xc1: {  	[dreg:$0x1] =	wrdreg $0xFFFFFFFF  }
0xc2: {  	_ =	task.clear_ibuf [dreg:s7], $0x2FFFF;
	_ =	strace $0x9FFFFFFF  }
0xc3: {  	(tm) =	ssettm $0x7FFFFFFF  }
tec
execute0_lowered:
.L_overlay_start_1:
0x0: {  	(tag) =	ssettag $0x1  }
0x1: {  	s4 =	rddreg [dreg:$0x0]  }
0x2: {  	s5 =	rddreg [dreg:$0x1];
	s0 =	srdreg.scid  }
0x3: {  	s7 =	stileid.u32;
	s1 =	rddreg [dreg:$0x2]  }
0x4: {  	s2 =	simm.s32 $0x0;
	s10 =	simm.s32 $0x3400;
	s11 =	simm.s32 $0x4C70  }
0x5: {  	s12 =	simm.s32 $0x3;
	s3 =	sand.u32 $0x1, s0;
	s0 =	rddreg [dreg:$0x3]  }
0x6: {  	s13 =	simm.s32 $0x0;
	s6 =	sshll.u32 s7, $0x1;
	[smem:$0x7FF] =	sst s2  }
0x7: {  	p0 =	sne.s32 s7, $0x0;
	s6 =	sor.u32 s3, s6;
	s8 =	ssub.s32 $0x2, s3  }
0x8: {  	s7 =	simm.s32 $0x1870;
	s6 =	smul.u32 $0x680, s6;
	s9 =	sshrl.u32 s8, $0x1  }
0x9: {  	_ =	strace $0x80000047;
	s3 =	sadd.s32 $0xD200, s4;
	s8 =	ssub.s32 s8, s9  }
0xa: {  	s9 =	simm.s32 $0x2;
	s4 =	sadd.s32 s6, s4;
	s5 =	sadd.s32 s5, s6  }
0xb: {  	s6 =	smax.u32 s8, $0x1;
	s8 =	sshrl.u32 @!p0 s1, $0x3;
	s4 =	sadd.s32 $0x200, s4  }
.LBB2_1:
0xc: {  	[tilespmem:s7], [sflag:$0x2] =	stream.linear.gather [hbm4b:s4+s2], $0x3400, $0x38;
	[tilespmem:$0x8070] =	vst v63  }
0xd: {  	s14 =	simm.s32 @!p0 $0x1C01  }
0xe: {  	[spmem:s8], [sflag:s14] =	dma.local @!p0 [hbm:s3], $0x30E0  }
0xf: {  	_ =	swait.ge [sflag:s9], $0x3400  }
0x10: {  	[sflag:s9] =	ssyncset.done $0x0  }
0x11: {  	s14 =	simm.s32 $0x18F0;
	[sflag:s9] =	ssyncadd.s32 $0xFFFFCC00  }
0x12: {  	v0 =	vld [tilespmem:s14+$0x70]  }
0x13: {  	v1 =	vld [tilespmem:s14+$0xFFFFFF90]  }
0x14: {  	v2 =	vld [tilespmem:s14+$0xFFFFFFA0]  }
0x15: {  	v3 =	vld [tilespmem:s14+$0xFFFFFFB0]  }
0x16: {  	v4 =	vld [tilespmem:s14+$0xFFFFFFC0]  }
0x17: {  	v5 =	vld [tilespmem:s14+$0xFFFFFFD0];
	vm0 =	vgt.s32 v0, $0x186A0  }
0x18: {  	v6 =	vld [tilespmem:s14+$0xFFFFFFE0];
	vm1 =	vgt.s32 v1, $0x186A0;
	v0 =	vsel vm0, $0x0, v0  }
0x19: {  	v7 =	vld [tilespmem:s14+$0xFFFFFFF0];
	v1 =	vsel vm1, $0x0, v1;
	vm0 =	vgt.s32 v2, $0x186A0;
	[tilespmem:s14+$0x70] =	vst v0  }
0x1a: {  	[tilespmem:s14+$0xFFFFFF90] =	vst v1;
	v0 =	vsel vm0, $0x0, v2;
	vm0 =	vgt.s32 v3, $0x186A0;
	v2 =	vld [tilespmem:s14+$0x0]  }
0x1b: {  	v8 =	vld [tilespmem:s14+$0x10];
	[tilespmem:s14+$0xFFFFFFA0] =	vst v0;
	v0 =	vsel vm0, $0x0, v3;
	vm0 =	vgt.s32 v4, $0x186A0  }
0x1c: {  	[tilespmem:s14+$0xFFFFFFB0] =	vst v0;
	v1 =	vsel vm0, $0x0, v4;
	vm0 =	vgt.s32 v5, $0x186A0;
	v0 =	vld [tilespmem:s14+$0x20]  }
0x1d: {  	[tilespmem:s14+$0xFFFFFFC0] =	vst v1;
	v3 =	vsel vm0, $0x0, v5;
	vm0 =	vgt.s32 v6, $0x186A0;
	v1 =	vld [tilespmem:s14+$0x30]  }
0x1e: {  	[tilespmem:s14+$0xFFFFFFD0] =	vst v3;
	v4 =	vsel vm0, $0x0, v6;
	vm0 =	vgt.s32 v7, $0x186A0;
	v3 =	vld [tilespmem:s14+$0x40]  }
0x1f: {  	v5 =	vld [tilespmem:s14+$0x50];
	[tilespmem:s14+$0xFFFFFFE0] =	vst v4;
	v4 =	vsel vm0, $0x0, v7;
	vm0 =	vgt.s32 v2, $0x186A0  }
0x20: {  	[tilespmem:s14+$0xFFFFFFF0] =	vst v4;
	v6 =	vsel vm0, $0x0, v2;
	vm0 =	vgt.s32 v8, $0x186A0;
	v4 =	vld [tilespmem:s14+$0x60]  }
0x21: {  	s15 =	simm.s32 $0x0;
	s16 =	simm.s32 $0x19F0;
	v2 =	vld [tilespmem:s14+$0xFFFFFF80];
	[tilespmem:s14+$0x0] =	vst v6;
	v6 =	vsel vm0, $0x0, v8;
	vm0 =	vgt.s32 v0, $0x186A0  }
.LBB2_2:
0x22: {  	v7 =	vld [tilespmem:s16+$0x70];
	s15 =	sadd.s32 $0x100, s15;
	[tilespmem:s14+$0x10] =	vst v6;
	v0 =	vsel vm0, $0x0, v0;
	vm0 =	vgt.s32 v1, $0x186A0  }
0x23: {  	v6 =	vld [tilespmem:s16+$0xFFFFFF90];
	p1 =	slt.u32 s15, $0x3300;
	[tilespmem:s14+$0x20] =	vst v0;
	v0 =	vsel vm0, $0x0, v1;
	vm0 =	vgt.s32 v3, $0x186A0  }
0x24: {  	v1 =	vld [tilespmem:s16+$0xFFFFFFA0];
	[tilespmem:s14+$0x30] =	vst v0;
	v0 =	vsel vm0, $0x0, v3;
	vm0 =	vgt.s32 v5, $0x186A0  }
0x25: {  	v3 =	vld [tilespmem:s16+$0xFFFFFFB0];
	[tilespmem:s14+$0x40] =	vst v0;
	v0 =	vsel vm0, $0x0, v5;
	vm0 =	vgt.s32 v4, $0x186A0  }
0x26: {  	v5 =	vld [tilespmem:s16+$0xFFFFFFC0];
	vm1 =	vgt.s32 v2, $0x186A0;
	[tilespmem:s14+$0x50] =	vst v0;
	v0 =	vsel vm0, $0x0, v4  }
0x27: {  	v4 =	vld [tilespmem:s16+$0xFFFFFFD0];
	vm0 =	vgt.s32 v7, $0x186A0;
	v2 =	vsel vm1, $0x0, v2;
	[tilespmem:s14+$0x60] =	vst v0  }
0x28: {  	vm1 =	vgt.s32 v6, $0x186A0;
	v8 =	vld [tilespmem:s16+$0xFFFFFFE0];
	v0 =	vsel vm0, $0x0, v7;
	[tilespmem:s14+$0xFFFFFF80] =	vst v2;
	s14 =	smov.u32 s16  }
0x29: {  	v2 =	vsel vm1, $0x0, v6;
	vm0 =	vgt.s32 v1, $0x186A0;
	v6 =	vld [tilespmem:s16+$0xFFFFFFF0];
	[tilespmem:s16+$0x70] =	vst v0  }
0x2a: {  	[tilespmem:s16+$0xFFFFFF90] =	vst v2;
	v0 =	vsel vm0, $0x0, v1;
	vm0 =	vgt.s32 v3, $0x186A0;
	v2 =	vld [tilespmem:s16+$0x0]  }
0x2b: {  	[tilespmem:s16+$0xFFFFFFA0] =	vst v0;
	v0 =	vsel vm0, $0x0, v3;
	vm0 =	vgt.s32 v5, $0x186A0;
	v7 =	vld [tilespmem:s16+$0x10]  }
0x2c: {  	[tilespmem:s16+$0xFFFFFFB0] =	vst v0;
	v1 =	vsel vm0, $0x0, v5;
	vm0 =	vgt.s32 v4, $0x186A0;
	v0 =	vld [tilespmem:s16+$0x20]  }
.Ltmp0:
0x2d: {  	[tilespmem:s16+$0xFFFFFFC0] =	vst v1;
	v3 =	vsel vm0, $0x0, v4;
	vm0 =	vgt.s32 v8, $0x186A0;
	v1 =	vld [tilespmem:s16+$0x30];
	(pc) =	sbr.rel @p1 .LBB2_2-.Ltmp0, $4  }
0x2e: {  	[tilespmem:s16+$0xFFFFFFD0] =	vst v3;
	v4 =	vsel vm0, $0x0, v8;
	vm0 =	vgt.s32 v6, $0x186A0;
	v3 =	vld [tilespmem:s16+$0x40]  }
0x2f: {  	[tilespmem:s16+$0xFFFFFFE0] =	vst v4;
	v4 =	vsel vm0, $0x0, v6;
	vm0 =	vgt.s32 v2, $0x186A0;
	v5 =	vld [tilespmem:s16+$0x50]  }
0x30: {  	[tilespmem:s16+$0xFFFFFFF0] =	vst v4;
	v6 =	vsel vm0, $0x0, v2;
	vm0 =	vgt.s32 v7, $0x186A0;
	v4 =	vld [tilespmem:s16+$0x60]  }
0x31: {  	s16 =	sadd.s32 $0x100, s16;
	v2 =	vld [tilespmem:s14+$0xFFFFFF80];
	[tilespmem:s14+$0x0] =	vst v6;
	v6 =	vsel vm0, $0x0, v7;
	vm0 =	vgt.s32 v0, $0x186A0  }
0x32: {  	[tilespmem:s14+$0x10] =	vst v6;
	v0 =	vsel vm0, $0x0, v0;
	vm12 =	vgt.s32 v1, $0x186A0  }
0x33: {  	[tilespmem:s14+$0x20] =	vst v0;
	v59 =	vsel vm12, $0x0, v1;
	vm13 =	vgt.s32 v3, $0x186A0  }
0x34: {  	[tilespmem:s14+$0x30] =	vst v59;
	v60 =	vsel vm13, $0x0, v3;
	vm14 =	vgt.s32 v5, $0x186A0  }
0x35: {  	[tilespmem:s14+$0x40] =	vst v60;
	v61 =	vsel vm14, $0x0, v5;
	vm15 =	vgt.s32 v4, $0x186A0  }
0x36: {  	vm1 =	vgt.s32 v2, $0x186A0;
	[tilespmem:s14+$0x50] =	vst v61;
	v62 =	vsel vm15, $0x0, v4  }
0x37: {  	v63 =	vsel vm1, $0x0, v2;
	[tilespmem:s14+$0x60] =	vst v62  }
0x38: {  	[tilespmem:s14+$0xFFFFFF80] =	vst v63;
	s14 =	simm.s32 @!p0 $0x1  }
0x39: {  	_ =	swait.ge @!p0 [sflag:s14], $0x30E0  }
0x3a: {  	[sflag:s14] =	ssyncset.done @!p0 $0x0  }
0x3b: {  	[sflag:s14] =	ssyncadd.s32 @!p0 $0xFFFFCF20  }
0x3c: {  	[bflag:$0x0] =	sbarrier.arrive $0xFFFF  }
0x3d: {  	[tilespmem:s11], [sflag:$0x2] =	stream.indirect.gather [spmem:s1], $0x1, s7, s10, $0xb8;
	[tilespmem:$0x8070] =	vst v63  }
0x3e: {  	s13 =	sadd.s32 $0x1, s13;
	_ =	swait.ge [sflag:s9], $0x3400  }
0x3f: {  	p1 =	sne.s32 s13, s6;
	[sflag:s9] =	ssyncset.done $0x0  }
.Ltmp1:
0x40: {  	[sflag:s9] =	ssyncadd.s32 $0xFFFFCC00;
	(pc) =	sbr.rel @p1 .LBB2_1-.Ltmp1, $4  }
0x41: {  	[hbm4b:s5+s2] =	stream.linear.scatter [tilespmem:s11], [sflag:$0x3], $0x3400, $0x38;
	[tilespmem:$0x8070] =	vst v63  }
0x42: {  	_ =	swait.ge [sflag:s12], $0x3400  }
0x43: {  	[sflag:s12] =	ssyncset.done $0x0  }
0x44: {  	[sflag:s12] =	ssyncadd.s32 $0xFFFFCC00  }
0x45: {  	_ =	sfence.sel $0x180000  }
0x46: {  	[bflag:$0x0] =	sbarrier.arrive $0xFFFF  }
0x47: {  	_ =	strace $0x90000047  }
0x48: {  	s0 =	sadd.s32 @!p0 $0x100000, s0;
	[bflag:$0x2] =	sbarrier.arrive $0xFFFF  }
0x49: {  	[sflag:s0] =	ssyncadd.tile.s32 @!p0 $0x1;
	_ =	shalt  }
.Lfunc_end2:
_tile_overlayer_lowered:
.L_overlay_start_2:
0x4a: {  	(tag) =	ssettag $0x2  }
0x4b: {  	s0 =	rddreg [dreg:$0x0];
	s2 =	stileid.u32  }
0x4c: {  	s1 =	rddreg [dreg:$0x1];
	p0 =	sne.s32 s2, $0x0  }
0x4d: {  	s3 =	rddreg [dreg:$0x2];
	[bflag:$0x3] =	sbarrier.arrive $0xFFFF;
	s2 =	simm.s32 @!p0 $0x1C03  }
0x4e: {  	[timem:s3], [sflag:s2] =	dma.local @!p0 [hbm:s0], s1  }
0x4f: {  	s0 =	simm.s32 @!p0 $0x3  }
0x50: {  	_ =	swait.ge @!p0 [sflag:s0], s1  }
0x51: {  	s1 =	ssub.s32 @!p0 $0x0, s1;
	[sflag:s0] =	ssyncset.done @!p0 $0x0  }
0x52: {  	[sflag:s0] =	ssyncadd.s32 @!p0 s1  }
0x53: {  	[bflag:$0x3] =	sbarrier.arrive $0xFFFF  }
0x54: {  	_ =	shalt  }

</sc_bundles>
